<compile_context>
chip_gen: v7x
topology: tpu7x:2x2x1
jax: 0.10.2.dev20260603
libtpu: 0.0.44.dev20260713+nightly
codegen_flags: <defaults>
</compile_context>

<pallas_src>
import functools

import jax
import jax.numpy as jnp
from jax import lax
from jax.experimental import pallas as pl
from jax.experimental.pallas import tpu as pltpu
from jax.experimental.pallas import tpu_sc as plsc

OUT = 1024
NF = 65536
B = 1024

NC = 2
NS = 16
L = 16
NW = NC * NS
RPW = B // NW
CH = 512
NCHUNK = NF // CH
XP = CH + 1
AP = 2 * OUT + 1

_DIAG = "dma_only"

_mesh = plsc.VectorSubcoreMesh(
    core_axis_name="c", subcore_axis_name="s", num_cores=NC, num_subcores=NS
)


@functools.partial(
    pl.kernel,
    out_type=jax.ShapeDtypeStruct((B, OUT), jnp.float32),
    mesh=_mesh,
    compiler_params=pltpu.CompilerParams(use_tc_tiling_on_sc=False,
                                          needs_layout_passes=False),
    scratch_types=[
        pltpu.VMEM((RPW, XP), jnp.float32),
        pltpu.VMEM((RPW, XP), jnp.float32),
        pltpu.VMEM((CH,), jnp.int32),
        pltpu.VMEM((CH,), jnp.int32),
        pltpu.VMEM((CH,), jnp.int32),
        pltpu.VMEM((CH,), jnp.int32),
        pltpu.VMEM((RPW, AP), jnp.float32),
        pltpu.SemaphoreType.DMA,
        pltpu.SemaphoreType.DMA,
    ],
)
def _rand_hash_proj(x_hbm, sel_hbm, bin_hbm, out_hbm,
                    xb0, xb1, sb0, sb1, bb0, bb1, acc, sem0, sem1):
    cid = lax.axis_index("c")
    sid = lax.axis_index("s")
    wid = sid * NC + cid
    row0 = wid * RPW

    lane = lax.iota(jnp.int32, L)
    lanef = lane
    zeros16 = jnp.zeros((L,), jnp.float32)

    bufs = ((xb0, sb0, bb0, sem0), (xb1, sb1, bb1, sem1))

    def copies(c, slot_bufs):
        xb, sb, bb, sem = slot_bufs
        col = c * CH
        return (
            pltpu.make_async_copy(
                x_hbm.at[pl.ds(row0, RPW), pl.ds(col, CH)],
                xb.at[:, pl.ds(0, CH)],
                sem,
            ),
            pltpu.make_async_copy(sel_hbm.at[pl.ds(col, CH)], sb, sem),
            pltpu.make_async_copy(bin_hbm.at[pl.ds(col, CH)], bb, sem),
        )

    def start(c, slot_bufs):
        for cp in copies(c, slot_bufs):
            cp.start()

    def wait(c, slot_bufs):
        for cp in copies(c, slot_bufs):
            cp.wait()

    def zero_row(b, _):
        def zero_grp(j, _):
            acc[b, pl.ds(j * L, L)] = zeros16
            return None
        lax.fori_loop(0, 2 * OUT // L, zero_grp, None)
        return None
    lax.fori_loop(0, RPW, zero_row, None)

    start(0, bufs[0])

    def do_chunk(c, slot_bufs, other_bufs):
        xb, sb, bb, _ = slot_bufs

        @pl.when(c + 1 < NCHUNK)
        def _():
            start(c + 1, other_bufs)

        wait(c, slot_bufs)

        def fuse(g, _):
            sl = pl.ds(g * L, L)
            sb[sl] = sb[sl] + bb[sl] * OUT
            return None
        lax.fori_loop(0, CH // L, fuse, None)

        PIPE = 6

        def grp(g, _):
            binv = sb[pl.ds(g * L, L)]
            pairs = []
            for l in range(L):
                bsel = binv.at[jnp.full((L,), l, jnp.int32)].get(
                    mode="promise_in_bounds")
                fvec = jnp.full((L,), g * L + l, jnp.int32)
                for h in range(2):
                    bl = lanef + (h * L)
                    pairs.append((bl, fvec, bsel))
            inflight = [plsc.load_gather(xb, [bl, fv]) for bl, fv, _ in pairs[:PIPE]]
            for k, (bl, fv, bs) in enumerate(pairs):
                if k + PIPE < len(pairs):
                    nbl, nfv, _ = pairs[k + PIPE]
                    inflight.append(plsc.load_gather(xb, [nbl, nfv]))
                plsc.addupdate_scatter(acc, [bl, bs], inflight[k])
            return None
        if _DIAG != "dma_only":
            lax.fori_loop(0, CH // L, grp, None)

    def outer(i, _):
        do_chunk(2 * i, bufs[0], bufs[1])
        do_chunk(2 * i + 1, bufs[1], bufs[0])
        return None
    lax.fori_loop(0, NCHUNK // 2, outer, None)

    def diff_row(b, _):
        def diff_grp(j, _):
            sl = pl.ds(j * L, L)
            sh = pl.ds(OUT + j * L, L)
            acc[b, sl] = acc[b, sh] - acc[b, sl]
            return None
        lax.fori_loop(0, OUT // L, diff_grp, None)
        return None
    lax.fori_loop(0, RPW, diff_row, None)

    pltpu.sync_copy(acc.at[:, pl.ds(0, OUT)],
                    out_hbm.at[pl.ds(row0, RPW), :])


def kernel(x, selector, binary):
    return _rand_hash_proj(x, selector, binary)

# --- scband reference (transcript-rebuilt; emitter-appended) ---
"""Pipeline reference for scband-rand-hash-proj-6691559047459 (READ-ONLY COPY).

The authoritative reference and input builder live on the scoring server;
editing this copy changes nothing except your own understanding.
"""

import jax, jax.numpy as jnp
import numpy as np

OUT_FEAT = 1024
IN_FEAT = 65536
BATCH = 1024


def setup_inputs(seed: int = 0) -> dict:
    key = jax.random.key(seed)
    kx, ks, kb = jax.random.split(key, 3)
    x = jax.random.normal(kx, (BATCH, IN_FEAT), dtype=jnp.float32)
    # Deterministic hash parameters of the module (the lazily-built 'proj'
    # sparse matrix is exactly: proj[selector[i], i] = sign[i]).
    selector = jax.random.randint(ks, (IN_FEAT,), 0, OUT_FEAT, dtype=jnp.int32)
    binary = jax.random.randint(kb, (IN_FEAT,), 0, 2, dtype=jnp.int32)
    return {"x": x, "selector": selector, "binary": binary}


def reference(x, selector, binary):
    # torch: output = (proj @ x.T).T where proj is (out_feat, in_feat) with
    # exactly one nonzero (+1/-1) per column. Equivalent to a signed
    # scatter-add (segment-sum) of input features into out_feat bins.
    sign = jnp.where(binary == 0, -1.0, 1.0).astype(x.dtype)
    signed = x * sign[None, :]                      # (B, N)
    out_t = jax.ops.segment_sum(signed.T, selector, num_segments=OUT_FEAT)  # (out_feat, B)
    return out_t.T                                  # (B, out_feat)

if __name__ == "__main__":
    import jax
    _d = setup_inputs()
    print(jax.jit(kernel)(*tuple(_d.values())))

</pallas_src>

<mosaic_0001>
#map = affine_map<(d0, d1) -> (0, 0)>
#map1 = affine_map<(d0, d1) -> (0)>
module attributes {stable_mosaic.version = 14 : i64} {
  func.func @_rand_hash_proj(%arg0: i32, %arg1: i32, %arg2: memref<1024x65536xf32, #tpu.memory_space<hbm>>, %arg3: memref<65536xi32, #tpu.memory_space<hbm>>, %arg4: memref<65536xi32, #tpu.memory_space<hbm>>, %arg5: memref<1024x1024xf32, #tpu.memory_space<hbm>>, %arg6: memref<32x513xf32, #tpu.memory_space<vmem>>, %arg7: memref<32x513xf32, #tpu.memory_space<vmem>>, %arg8: memref<512xi32, #tpu.memory_space<vmem>>, %arg9: memref<512xi32, #tpu.memory_space<vmem>>, %arg10: memref<512xi32, #tpu.memory_space<vmem>>, %arg11: memref<512xi32, #tpu.memory_space<vmem>>, %arg12: memref<32x2049xf32, #tpu.memory_space<vmem>>, %arg13: memref<!tpu.dma_semaphore, #tpu.memory_space<semaphore_mem>>, %arg14: memref<!tpu.dma_semaphore, #tpu.memory_space<semaphore_mem>>) attributes {dimension_semantics = [#tpu.dimension_semantics<core_parallel>, #tpu.dimension_semantics<subcore_parallel>], iteration_bounds = array<i64: 2, 16>, scalar_prefetch = 0 : i64, scratch_operands = 9 : i64, tpu.core_type = #tpu.core_type<sc_vector_subcore>, window_params = [{transform_indices = #map}, {transform_indices = #map1}, {transform_indices = #map1}, {transform_indices = #map}]} {
    %mul3A = arith.constant 2 : i32
    %mul3A_0 = arith.muli %arg1, %mul3A : i32
    %add3A = arith.addi %mul3A_0, %arg0 : i32
    %mul3A_1 = arith.constant 32 : i32
    %mul3A_2 = arith.muli %add3A, %mul3A_1 : i32
    %iota3A = tpu.iota {dimensions = array<i32: 0>} : vector<16xi32>
    %broadcast_in_dim3A = arith.constant 0.000000e+00 : f32
    %broadcast_in_dim3A_3 = vector.broadcast %broadcast_in_dim3A : f32 to vector<16xf32>
    %scan3A = arith.constant 0 : i32
    %scan3A_4 = arith.constant 32 : i32
    %scan3A_5 = arith.addi %scan3A, %scan3A_4 : i32
    %scan3A_6 = arith.constant 1 : i32
    scf.for %scan3A_35 = %scan3A to %scan3A_5 step %scan3A_6  : i32 {
      %scan3A_36 = arith.constant 0 : i32
      %scan3A_37 = arith.constant 128 : i32
      %scan3A_38 = arith.addi %scan3A_36, %scan3A_37 : i32
      %scan3A_39 = arith.constant 1 : i32
      scf.for %scan3A_41 = %scan3A_36 to %scan3A_38 step %scan3A_39  : i32 {
        %mul3A_42 = arith.constant 16 : i32
        %mul3A_43 = arith.muli %scan3A_41, %mul3A_42 : i32
        %swap3A = arith.index_cast %scan3A_35 : i32 to index
        %swap3A_44 = arith.index_cast %mul3A_43 : i32 to index
        %swap3A_45 = tpu.vector_load %arg12[%swap3A, %swap3A_44] {strides = array<i32>} : memref<32x2049xf32, #tpu.memory_space<vmem>>, vector<16xf32>,
        tpu.vector_store %arg12[%swap3A, %swap3A_44], %broadcast_in_dim3A_3 {strides = array<i32>} : memref<32x2049xf32, #tpu.memory_space<vmem>>, vector<16xf32>,
      }
      %scan3A_40 = arith.constant 128 : i32
    }
    %scan3A_7 = arith.constant 32 : i32
    %dma_start3A = arith.constant 0 : i32
    %dma_start3A_8 = arith.constant 0 : i32
    %dma_start3A_9 = tpu.memref_slice %arg6[%dma_start3A, %dma_start3A_8] : memref<32x513xf32, #tpu.memory_space<vmem>> -> memref<32x512xf32, #tpu.memory_space<vmem>>
    %dma_start3A_10 = arith.constant 0 : i32
    %dma_start3A_11 = tpu.memref_slice %arg2[%mul3A_2, %dma_start3A_10] : memref<1024x65536xf32, #tpu.memory_space<hbm>> -> memref<32x512xf32, #tpu.memory_space<hbm>>
    %dma_start3A_12 = arith.constant 0 : i32
    %dma_start3A_13 = arith.constant 0 : i32
    %dma_start3A_14 = tpu.memref_slice %arg6[%dma_start3A_12, %dma_start3A_13] : memref<32x513xf32, #tpu.memory_space<vmem>> -> memref<32x512xf32, #tpu.memory_space<vmem>>
    %dma_start3A_15 = arith.constant 0 : i32
    %dma_start3A_16 = tpu.memref_slice %arg2[%mul3A_2, %dma_start3A_15] : memref<1024x65536xf32, #tpu.memory_space<hbm>> -> memref<32x512xf32, #tpu.memory_space<hbm>>
    tpu.enqueue_dma source(%dma_start3A_16 : memref<32x512xf32, #tpu.memory_space<hbm>>) target(%dma_start3A_14 : memref<32x512xf32, #tpu.memory_space<vmem>>) target_semaphore(%arg13 : memref<!tpu.dma_semaphore, #tpu.memory_space<semaphore_mem>>)
    %dma_start3A_17 = arith.constant 0 : i32
    %dma_start3A_18 = tpu.memref_slice %arg3[%dma_start3A_17] : memref<65536xi32, #tpu.memory_space<hbm>> -> memref<512xi32, #tpu.memory_space<hbm>>
    %dma_start3A_19 = arith.constant 0 : i32
    %dma_start3A_20 = tpu.memref_slice %arg3[%dma_start3A_19] : memref<65536xi32, #tpu.memory_space<hbm>> -> memref<512xi32, #tpu.memory_space<hbm>>
    tpu.enqueue_dma source(%dma_start3A_20 : memref<512xi32, #tpu.memory_space<hbm>>) target(%arg8 : memref<512xi32, #tpu.memory_space<vmem>>) target_semaphore(%arg13 : memref<!tpu.dma_semaphore, #tpu.memory_space<semaphore_mem>>)
    %dma_start3A_21 = arith.constant 0 : i32
    %dma_start3A_22 = tpu.memref_slice %arg4[%dma_start3A_21] : memref<65536xi32, #tpu.memory_space<hbm>> -> memref<512xi32, #tpu.memory_space<hbm>>
    %dma_start3A_23 = arith.constant 0 : i32
    %dma_start3A_24 = tpu.memref_slice %arg4[%dma_start3A_23] : memref<65536xi32, #tpu.memory_space<hbm>> -> memref<512xi32, #tpu.memory_space<hbm>>
    tpu.enqueue_dma source(%dma_start3A_24 : memref<512xi32, #tpu.memory_space<hbm>>) target(%arg10 : memref<512xi32, #tpu.memory_space<vmem>>) target_semaphore(%arg13 : memref<!tpu.dma_semaphore, #tpu.memory_space<semaphore_mem>>)
    %scan3A_25 = arith.constant 0 : i32
    %scan3A_26 = arith.constant 64 : i32
    %scan3A_27 = arith.addi %scan3A_25, %scan3A_26 : i32
    %scan3A_28 = arith.constant 1 : i32
    scf.for %scan3A_35 = %scan3A_25 to %scan3A_27 step %scan3A_28  : i32 {
      %mul3A_36 = arith.constant 2 : i32
      %mul3A_37 = arith.muli %mul3A_36, %scan3A_35 : i32
      %add3A_38 = arith.constant 1 : i32
      %add3A_39 = arith.addi %mul3A_37, %add3A_38 : i32
      %lt3A = arith.constant 128 : i32
      %lt3A_40 = arith.cmpi slt, %add3A_39, %lt3A : i32
      %convert_element_type3A = arith.extui %lt3A_40 : i1 to i32
      %cond3A = arith.constant 0 : i32
      %cond3A_41 = arith.cmpi ne, %convert_element_type3A, %cond3A : i32
      scf.if %cond3A_41 {
        %add3A_90 = arith.constant 1 : i32
        %add3A_91 = arith.addi %mul3A_37, %add3A_90 : i32
        %mul3A_92 = arith.constant 512 : i32
        %mul3A_93 = arith.muli %add3A_91, %mul3A_92 : i32
        %dma_start3A_94 = arith.constant 0 : i32
        %dma_start3A_95 = arith.constant 0 : i32
        %dma_start3A_96 = tpu.memref_slice %arg7[%dma_start3A_94, %dma_start3A_95] : memref<32x513xf32, #tpu.memory_space<vmem>> -> memref<32x512xf32, #tpu.memory_space<vmem>>
        %dma_start3A_97 = tpu.memref_slice %arg2[%mul3A_2, %mul3A_93] : memref<1024x65536xf32, #tpu.memory_space<hbm>> -> memref<32x512xf32, #tpu.memory_space<hbm>>
        %dma_start3A_98 = arith.constant 0 : i32
        %dma_start3A_99 = arith.constant 0 : i32
        %dma_start3A_100 = tpu.memref_slice %arg7[%dma_start3A_98, %dma_start3A_99] : memref<32x513xf32, #tpu.memory_space<vmem>> -> memref<32x512xf32, #tpu.memory_space<vmem>>
        %dma_start3A_101 = tpu.memref_slice %arg2[%mul3A_2, %mul3A_93] : memref<1024x65536xf32, #tpu.memory_space<hbm>> -> memref<32x512xf32, #tpu.memory_space<hbm>>
        tpu.enqueue_dma source(%dma_start3A_101 : memref<32x512xf32, #tpu.memory_space<hbm>>) target(%dma_start3A_100 : memref<32x512xf32, #tpu.memory_space<vmem>>) target_semaphore(%arg14 : memref<!tpu.dma_semaphore, #tpu.memory_space<semaphore_mem>>)
        %dma_start3A_102 = tpu.memref_slice %arg3[%mul3A_93] : memref<65536xi32, #tpu.memory_space<hbm>> -> memref<512xi32, #tpu.memory_space<hbm>>
        %dma_start3A_103 = tpu.memref_slice %arg3[%mul3A_93] : memref<65536xi32, #tpu.memory_space<hbm>> -> memref<512xi32, #tpu.memory_space<hbm>>
        tpu.enqueue_dma source(%dma_start3A_103 : memref<512xi32, #tpu.memory_space<hbm>>) target(%arg9 : memref<512xi32, #tpu.memory_space<vmem>>) target_semaphore(%arg14 : memref<!tpu.dma_semaphore, #tpu.memory_space<semaphore_mem>>)
        %dma_start3A_104 = tpu.memref_slice %arg4[%mul3A_93] : memref<65536xi32, #tpu.memory_space<hbm>> -> memref<512xi32, #tpu.memory_space<hbm>>
        %dma_start3A_105 = tpu.memref_slice %arg4[%mul3A_93] : memref<65536xi32, #tpu.memory_space<hbm>> -> memref<512xi32, #tpu.memory_space<hbm>>
        tpu.enqueue_dma source(%dma_start3A_105 : memref<512xi32, #tpu.memory_space<hbm>>) target(%arg11 : memref<512xi32, #tpu.memory_space<vmem>>) target_semaphore(%arg14 : memref<!tpu.dma_semaphore, #tpu.memory_space<semaphore_mem>>)
      } else {
      }
      %mul3A_42 = arith.constant 512 : i32
      %mul3A_43 = arith.muli %mul3A_37, %mul3A_42 : i32
      %dma_wait3A = arith.constant 0 : i32
      %dma_wait3A_44 = arith.constant 0 : i32
      %dma_wait3A_45 = tpu.memref_slice %arg6[%dma_wait3A, %dma_wait3A_44] : memref<32x513xf32, #tpu.memory_space<vmem>> -> memref<32x512xf32, #tpu.memory_space<vmem>>
      %dma_wait3A_46 = tpu.memref_slice %arg2[%mul3A_2, %mul3A_43] : memref<1024x65536xf32, #tpu.memory_space<hbm>> -> memref<32x512xf32, #tpu.memory_space<hbm>>
      %dma_wait3A_47 = arith.constant 0 : i32
      %dma_wait3A_48 = arith.constant 0 : i32
      %dma_wait3A_49 = tpu.memref_slice %arg6[%dma_wait3A_47, %dma_wait3A_48] : memref<32x513xf32, #tpu.memory_space<vmem>> -> memref<32x512xf32, #tpu.memory_space<vmem>>
      %dma_wait3A_50 = tpu.memref_slice %arg2[%mul3A_2, %mul3A_43] : memref<1024x65536xf32, #tpu.memory_space<hbm>> -> memref<32x512xf32, #tpu.memory_space<hbm>>
      tpu.wait_dma2 semaphore(%arg13 : memref<!tpu.dma_semaphore, #tpu.memory_space<semaphore_mem>>) src(%dma_wait3A_50 : memref<32x512xf32, #tpu.memory_space<hbm>>) dst(%dma_wait3A_49 : memref<32x512xf32, #tpu.memory_space<vmem>>)
      %dma_wait3A_51 = tpu.memref_slice %arg3[%mul3A_43] : memref<65536xi32, #tpu.memory_space<hbm>> -> memref<512xi32, #tpu.memory_space<hbm>>
      %dma_wait3A_52 = tpu.memref_slice %arg3[%mul3A_43] : memref<65536xi32, #tpu.memory_space<hbm>> -> memref<512xi32, #tpu.memory_space<hbm>>
      tpu.wait_dma2 semaphore(%arg13 : memref<!tpu.dma_semaphore, #tpu.memory_space<semaphore_mem>>) src(%dma_wait3A_52 : memref<512xi32, #tpu.memory_space<hbm>>) dst(%arg8 : memref<512xi32, #tpu.memory_space<vmem>>)
      %dma_wait3A_53 = tpu.memref_slice %arg4[%mul3A_43] : memref<65536xi32, #tpu.memory_space<hbm>> -> memref<512xi32, #tpu.memory_space<hbm>>
      %dma_wait3A_54 = tpu.memref_slice %arg4[%mul3A_43] : memref<65536xi32, #tpu.memory_space<hbm>> -> memref<512xi32, #tpu.memory_space<hbm>>
      tpu.wait_dma2 semaphore(%arg13 : memref<!tpu.dma_semaphore, #tpu.memory_space<semaphore_mem>>) src(%dma_wait3A_54 : memref<512xi32, #tpu.memory_space<hbm>>) dst(%arg10 : memref<512xi32, #tpu.memory_space<vmem>>)
      %scan3A_55 = arith.constant 0 : i32
      %scan3A_56 = arith.constant 32 : i32
      %scan3A_57 = arith.addi %scan3A_55, %scan3A_56 : i32
      %scan3A_58 = arith.constant 1 : i32
      scf.for %scan3A_90 = %scan3A_55 to %scan3A_57 step %scan3A_58  : i32 {
        %mul3A_91 = arith.constant 16 : i32
        %mul3A_92 = arith.muli %scan3A_90, %mul3A_91 : i32
        %get3A = arith.index_cast %mul3A_92 : i32 to index
        %get3A_93 = tpu.vector_load %arg8[%get3A] {strides = array<i32>} : memref<512xi32, #tpu.memory_space<vmem>>, vector<16xi32>,
        %get3A_94 = arith.index_cast %mul3A_92 : i32 to index
        %get3A_95 = tpu.vector_load %arg10[%get3A_94] {strides = array<i32>} : memref<512xi32, #tpu.memory_space<vmem>>, vector<16xi32>,
        %mul3A_96 = arith.constant 1024 : i32
        %mul3A_97 = vector.broadcast %mul3A_96 : i32 to vector<16xi32>
        %mul3A_98 = arith.muli %get3A_95, %mul3A_97 : vector<16xi32>
        %add3A_99 = arith.addi %get3A_93, %mul3A_98 : vector<16xi32>
        %swap3A = arith.index_cast %mul3A_92 : i32 to index
        %swap3A_100 = tpu.vector_load %arg8[%swap3A] {strides = array<i32>} : memref<512xi32, #tpu.memory_space<vmem>>, vector<16xi32>,
        tpu.vector_store %arg8[%swap3A], %add3A_99 {strides = array<i32>} : memref<512xi32, #tpu.memory_space<vmem>>, vector<16xi32>,
      }
      %scan3A_59 = arith.constant 32 : i32
      %mul3A_60 = arith.constant 2 : i32
      %mul3A_61 = arith.muli %mul3A_60, %scan3A_35 : i32
      %add3A_62 = arith.constant 1 : i32
      %add3A_63 = arith.addi %mul3A_61, %add3A_62 : i32
      %add3A_64 = arith.constant 1 : i32
      %add3A_65 = arith.addi %add3A_63, %add3A_64 : i32
      %lt3A_66 = arith.constant 128 : i32
      %lt3A_67 = arith.cmpi slt, %add3A_65, %lt3A_66 : i32
      %convert_element_type3A_68 = arith.extui %lt3A_67 : i1 to i32
      %cond3A_69 = arith.constant 0 : i32
      %cond3A_70 = arith.cmpi ne, %convert_element_type3A_68, %cond3A_69 : i32
      scf.if %cond3A_70 {
        %add3A_90 = arith.constant 1 : i32
        %add3A_91 = arith.addi %add3A_63, %add3A_90 : i32
        %mul3A_92 = arith.constant 512 : i32
        %mul3A_93 = arith.muli %add3A_91, %mul3A_92 : i32
        %dma_start3A_94 = arith.constant 0 : i32
        %dma_start3A_95 = arith.constant 0 : i32
        %dma_start3A_96 = tpu.memref_slice %arg6[%dma_start3A_94, %dma_start3A_95] : memref<32x513xf32, #tpu.memory_space<vmem>> -> memref<32x512xf32, #tpu.memory_space<vmem>>
        %dma_start3A_97 = tpu.memref_slice %arg2[%mul3A_2, %mul3A_93] : memref<1024x65536xf32, #tpu.memory_space<hbm>> -> memref<32x512xf32, #tpu.memory_space<hbm>>
        %dma_start3A_98 = arith.constant 0 : i32
        %dma_start3A_99 = arith.constant 0 : i32
        %dma_start3A_100 = tpu.memref_slice %arg6[%dma_start3A_98, %dma_start3A_99] : memref<32x513xf32, #tpu.memory_space<vmem>> -> memref<32x512xf32, #tpu.memory_space<vmem>>
        %dma_start3A_101 = tpu.memref_slice %arg2[%mul3A_2, %mul3A_93] : memref<1024x65536xf32, #tpu.memory_space<hbm>> -> memref<32x512xf32, #tpu.memory_space<hbm>>
        tpu.enqueue_dma source(%dma_start3A_101 : memref<32x512xf32, #tpu.memory_space<hbm>>) target(%dma_start3A_100 : memref<32x512xf32, #tpu.memory_space<vmem>>) target_semaphore(%arg13 : memref<!tpu.dma_semaphore, #tpu.memory_space<semaphore_mem>>)
        %dma_start3A_102 = tpu.memref_slice %arg3[%mul3A_93] : memref<65536xi32, #tpu.memory_space<hbm>> -> memref<512xi32, #tpu.memory_space<hbm>>
        %dma_start3A_103 = tpu.memref_slice %arg3[%mul3A_93] : memref<65536xi32, #tpu.memory_space<hbm>> -> memref<512xi32, #tpu.memory_space<hbm>>
        tpu.enqueue_dma source(%dma_start3A_103 : memref<512xi32, #tpu.memory_space<hbm>>) target(%arg8 : memref<512xi32, #tpu.memory_space<vmem>>) target_semaphore(%arg13 : memref<!tpu.dma_semaphore, #tpu.memory_space<semaphore_mem>>)
        %dma_start3A_104 = tpu.memref_slice %arg4[%mul3A_93] : memref<65536xi32, #tpu.memory_space<hbm>> -> memref<512xi32, #tpu.memory_space<hbm>>
        %dma_start3A_105 = tpu.memref_slice %arg4[%mul3A_93] : memref<65536xi32, #tpu.memory_space<hbm>> -> memref<512xi32, #tpu.memory_space<hbm>>
        tpu.enqueue_dma source(%dma_start3A_105 : memref<512xi32, #tpu.memory_space<hbm>>) target(%arg10 : memref<512xi32, #tpu.memory_space<vmem>>) target_semaphore(%arg13 : memref<!tpu.dma_semaphore, #tpu.memory_space<semaphore_mem>>)
      } else {
      }
      %mul3A_71 = arith.constant 512 : i32
      %mul3A_72 = arith.muli %add3A_63, %mul3A_71 : i32
      %dma_wait3A_73 = arith.constant 0 : i32
      %dma_wait3A_74 = arith.constant 0 : i32
      %dma_wait3A_75 = tpu.memref_slice %arg7[%dma_wait3A_73, %dma_wait3A_74] : memref<32x513xf32, #tpu.memory_space<vmem>> -> memref<32x512xf32, #tpu.memory_space<vmem>>
      %dma_wait3A_76 = tpu.memref_slice %arg2[%mul3A_2, %mul3A_72] : memref<1024x65536xf32, #tpu.memory_space<hbm>> -> memref<32x512xf32, #tpu.memory_space<hbm>>
      %dma_wait3A_77 = arith.constant 0 : i32
      %dma_wait3A_78 = arith.constant 0 : i32
      %dma_wait3A_79 = tpu.memref_slice %arg7[%dma_wait3A_77, %dma_wait3A_78] : memref<32x513xf32, #tpu.memory_space<vmem>> -> memref<32x512xf32, #tpu.memory_space<vmem>>
      %dma_wait3A_80 = tpu.memref_slice %arg2[%mul3A_2, %mul3A_72] : memref<1024x65536xf32, #tpu.memory_space<hbm>> -> memref<32x512xf32, #tpu.memory_space<hbm>>
      tpu.wait_dma2 semaphore(%arg14 : memref<!tpu.dma_semaphore, #tpu.memory_space<semaphore_mem>>) src(%dma_wait3A_80 : memref<32x512xf32, #tpu.memory_space<hbm>>) dst(%dma_wait3A_79 : memref<32x512xf32, #tpu.memory_space<vmem>>)
      %dma_wait3A_81 = tpu.memref_slice %arg3[%mul3A_72] : memref<65536xi32, #tpu.memory_space<hbm>> -> memref<512xi32, #tpu.memory_space<hbm>>
      %dma_wait3A_82 = tpu.memref_slice %arg3[%mul3A_72] : memref<65536xi32, #tpu.memory_space<hbm>> -> memref<512xi32, #tpu.memory_space<hbm>>
      tpu.wait_dma2 semaphore(%arg14 : memref<!tpu.dma_semaphore, #tpu.memory_space<semaphore_mem>>) src(%dma_wait3A_82 : memref<512xi32, #tpu.memory_space<hbm>>) dst(%arg9 : memref<512xi32, #tpu.memory_space<vmem>>)
      %dma_wait3A_83 = tpu.memref_slice %arg4[%mul3A_72] : memref<65536xi32, #tpu.memory_space<hbm>> -> memref<512xi32, #tpu.memory_space<hbm>>
      %dma_wait3A_84 = tpu.memref_slice %arg4[%mul3A_72] : memref<65536xi32, #tpu.memory_space<hbm>> -> memref<512xi32, #tpu.memory_space<hbm>>
      tpu.wait_dma2 semaphore(%arg14 : memref<!tpu.dma_semaphore, #tpu.memory_space<semaphore_mem>>) src(%dma_wait3A_84 : memref<512xi32, #tpu.memory_space<hbm>>) dst(%arg11 : memref<512xi32, #tpu.memory_space<vmem>>)
      %scan3A_85 = arith.constant 0 : i32
      %scan3A_86 = arith.constant 32 : i32
      %scan3A_87 = arith.addi %scan3A_85, %scan3A_86 : i32
      %scan3A_88 = arith.constant 1 : i32
      scf.for %scan3A_90 = %scan3A_85 to %scan3A_87 step %scan3A_88  : i32 {
        %mul3A_91 = arith.constant 16 : i32
        %mul3A_92 = arith.muli %scan3A_90, %mul3A_91 : i32
        %get3A = arith.index_cast %mul3A_92 : i32 to index
        %get3A_93 = tpu.vector_load %arg9[%get3A] {strides = array<i32>} : memref<512xi32, #tpu.memory_space<vmem>>, vector<16xi32>,
        %get3A_94 = arith.index_cast %mul3A_92 : i32 to index
        %get3A_95 = tpu.vector_load %arg11[%get3A_94] {strides = array<i32>} : memref<512xi32, #tpu.memory_space<vmem>>, vector<16xi32>,
        %mul3A_96 = arith.constant 1024 : i32
        %mul3A_97 = vector.broadcast %mul3A_96 : i32 to vector<16xi32>
        %mul3A_98 = arith.muli %get3A_95, %mul3A_97 : vector<16xi32>
        %add3A_99 = arith.addi %get3A_93, %mul3A_98 : vector<16xi32>
        %swap3A = arith.index_cast %mul3A_92 : i32 to index
        %swap3A_100 = tpu.vector_load %arg9[%swap3A] {strides = array<i32>} : memref<512xi32, #tpu.memory_space<vmem>>, vector<16xi32>,
        tpu.vector_store %arg9[%swap3A], %add3A_99 {strides = array<i32>} : memref<512xi32, #tpu.memory_space<vmem>>, vector<16xi32>,
      }
      %scan3A_89 = arith.constant 32 : i32
    }
    %scan3A_29 = arith.constant 64 : i32
    %scan3A_30 = arith.constant 0 : i32
    %scan3A_31 = arith.constant 32 : i32
    %scan3A_32 = arith.addi %scan3A_30, %scan3A_31 : i32
    %scan3A_33 = arith.constant 1 : i32
    scf.for %scan3A_35 = %scan3A_30 to %scan3A_32 step %scan3A_33  : i32 {
      %scan3A_36 = arith.constant 0 : i32
      %scan3A_37 = arith.constant 64 : i32
      %scan3A_38 = arith.addi %scan3A_36, %scan3A_37 : i32
      %scan3A_39 = arith.constant 1 : i32
      scf.for %scan3A_41 = %scan3A_36 to %scan3A_38 step %scan3A_39  : i32 {
        %mul3A_42 = arith.constant 16 : i32
        %mul3A_43 = arith.muli %scan3A_41, %mul3A_42 : i32
        %mul3A_44 = arith.constant 16 : i32
        %mul3A_45 = arith.muli %scan3A_41, %mul3A_44 : i32
        %add3A_46 = arith.constant 1024 : i32
        %add3A_47 = arith.addi %add3A_46, %mul3A_45 : i32
        %get3A = arith.index_cast %scan3A_35 : i32 to index
        %get3A_48 = arith.index_cast %add3A_47 : i32 to index
        %get3A_49 = tpu.vector_load %arg12[%get3A, %get3A_48] {strides = array<i32>} : memref<32x2049xf32, #tpu.memory_space<vmem>>, vector<16xf32>,
        %get3A_50 = arith.index_cast %scan3A_35 : i32 to index
        %get3A_51 = arith.index_cast %mul3A_43 : i32 to index
        %get3A_52 = tpu.vector_load %arg12[%get3A_50, %get3A_51] {strides = array<i32>} : memref<32x2049xf32, #tpu.memory_space<vmem>>, vector<16xf32>,
        %sub3A = arith.subf %get3A_49, %get3A_52 : vector<16xf32>
        %swap3A = arith.index_cast %scan3A_35 : i32 to index
        %swap3A_53 = arith.index_cast %mul3A_43 : i32 to index
        %swap3A_54 = tpu.vector_load %arg12[%swap3A, %swap3A_53] {strides = array<i32>} : memref<32x2049xf32, #tpu.memory_space<vmem>>, vector<16xf32>,
        tpu.vector_store %arg12[%swap3A, %swap3A_53], %sub3A {strides = array<i32>} : memref<32x2049xf32, #tpu.memory_space<vmem>>, vector<16xf32>,
      }
      %scan3A_40 = arith.constant 64 : i32
    }
    %scan3A_34 = arith.constant 32 : i32
    "tpu.region"() ({
      %run_scoped3A = tpu.sem_alloc : memref<!tpu.dma_semaphore, #tpu.memory_space<semaphore_mem>>
      %dma_start3A_35 = arith.constant 0 : i32
      %dma_start3A_36 = arith.constant 0 : i32
      %dma_start3A_37 = tpu.memref_slice %arg12[%dma_start3A_35, %dma_start3A_36] : memref<32x2049xf32, #tpu.memory_space<vmem>> -> memref<32x1024xf32, #tpu.memory_space<vmem>>
      %dma_start3A_38 = arith.constant 0 : i32
      %dma_start3A_39 = tpu.memref_slice %arg5[%mul3A_2, %dma_start3A_38] : memref<1024x1024xf32, #tpu.memory_space<hbm>> -> memref<32x1024xf32, #tpu.memory_space<hbm>>
      %dma_start3A_40 = arith.constant 0 : i32
      %dma_start3A_41 = tpu.memref_slice %arg5[%mul3A_2, %dma_start3A_40] : memref<1024x1024xf32, #tpu.memory_space<hbm>> -> memref<32x1024xf32, #tpu.memory_space<hbm>>
      %dma_start3A_42 = arith.constant 0 : i32
      %dma_start3A_43 = arith.constant 0 : i32
      %dma_start3A_44 = tpu.memref_slice %arg12[%dma_start3A_42, %dma_start3A_43] : memref<32x2049xf32, #tpu.memory_space<vmem>> -> memref<32x1024xf32, #tpu.memory_space<vmem>>
      tpu.enqueue_dma source(%dma_start3A_44 : memref<32x1024xf32, #tpu.memory_space<vmem>>) target(%dma_start3A_41 : memref<32x1024xf32, #tpu.memory_space<hbm>>) target_semaphore(%run_scoped3A : memref<!tpu.dma_semaphore, #tpu.memory_space<semaphore_mem>>)
      %dma_wait3A = arith.constant 0 : i32
      %dma_wait3A_45 = arith.constant 0 : i32
      %dma_wait3A_46 = tpu.memref_slice %arg12[%dma_wait3A, %dma_wait3A_45] : memref<32x2049xf32, #tpu.memory_space<vmem>> -> memref<32x1024xf32, #tpu.memory_space<vmem>>
      %dma_wait3A_47 = arith.constant 0 : i32
      %dma_wait3A_48 = tpu.memref_slice %arg5[%mul3A_2, %dma_wait3A_47] : memref<1024x1024xf32, #tpu.memory_space<hbm>> -> memref<32x1024xf32, #tpu.memory_space<hbm>>
      %dma_wait3A_49 = arith.constant 0 : i32
      %dma_wait3A_50 = tpu.memref_slice %arg5[%mul3A_2, %dma_wait3A_49] : memref<1024x1024xf32, #tpu.memory_space<hbm>> -> memref<32x1024xf32, #tpu.memory_space<hbm>>
      %dma_wait3A_51 = arith.constant 0 : i32
      %dma_wait3A_52 = arith.constant 0 : i32
      %dma_wait3A_53 = tpu.memref_slice %arg12[%dma_wait3A_51, %dma_wait3A_52] : memref<32x2049xf32, #tpu.memory_space<vmem>> -> memref<32x1024xf32, #tpu.memory_space<vmem>>
      tpu.wait_dma2 semaphore(%run_scoped3A : memref<!tpu.dma_semaphore, #tpu.memory_space<semaphore_mem>>) src(%dma_wait3A_53 : memref<32x1024xf32, #tpu.memory_space<vmem>>) dst(%dma_wait3A_50 : memref<32x1024xf32, #tpu.memory_space<hbm>>)
      tpu.yield
    }) : () -> ()
    return
  }
}

</mosaic_0001>

<sc_bundles>
// kernel: kernel.3.cloned.1.call-start
scs
__scs_entry_jumppad:
0x0: {  	(pc) =	sbr.rel $0x88, $3  }
0x1: {  	(tag) =	ssettag $0x0;
	lr =	simm.s32 $0x1  }
0x2: {  	[smem:$0x3F9E] =	sst lr;
	_ =	strace $0xD0000000  }
0x3: {  	_ = 	snop  }
0x4: {  	_ = 	snop  }
0x5: {  	_ = 	snop  }
0x6: {  	_ = 	snop  }
0x7: {  	_ = 	snop  }
__scs_overlays_trampoline_lowered:
0x8: {  	[smem:$0x3FAD] =	sst s0  }
0x9: {  	[smem:$0x3FAE] =	sst s1  }
0xa: {  	[smem:$0x3FAF] =	sst s2  }
0xb: {  	[smem:$0x3FB0] =	sst s3  }
0xc: {  	[smem:$0x3FB1] =	sst s4  }
0xd: {  	[smem:$0x3FB2] =	sst s5  }
0xe: {  	[smem:$0x3FB3] =	sst s6  }
0xf: {  	[smem:$0x3FB4] =	sst s7  }
0x10: {  	[smem:$0x3FB5] =	sst s8  }
0x11: {  	[smem:$0x3FB6] =	sst s9;
	s0 =	simm.s32 @!p0 $0x0  }
0x12: {  	s1 =	sld [smem:$0x3F9C];
	s0 =	simm.s32 @p0 $0x1  }
0x13: {  	[smem:$0x3FB7] =	sst s0;
	s0 =	simm.s32 @!p1 $0x0  }
0x14: {  	s2 =	sld [smem:$0x3F9B];
	s0 =	simm.s32 @p1 $0x1  }
0x15: {  	[smem:$0x3FB8] =	sst s0;
	s0 =	simm.s32 @!p2 $0x0  }
0x16: {  	s3 =	sld [smem:$0x3FDB];
	s0 =	simm.s32 @p2 $0x1  }
0x17: {  	s4 =	simm.s32 $0x1BF5;
	[smem:$0x3FBA] =	sst s0  }
0x18: {  	s0 =	sld [smem:$0x3F9D];
	_ =	swait.ge [sflag:s4], $0x0  }
0x19: {  	s7 =	sld [smem:$0x3F9E]  }
0x1a: {  	s8 =	sadd.s32 $0xFFFFE003, lr  }
0x1b: {  	s9 =	sadd.s32 $0xFFFFFEF7, lr;
	s5 =	simm.s32 $0xFFFFFFFF;
	p2 =	slt.u32 s8, $0xFFFFF086  }
0x1c: {  	p1 =	slt.u32 s9, $0xF7A;
	s5 =	simm.s32 @!p2 $0x0  }
0x1d: {  	s5 =	simm.s32 @p1 $0x1;
	p0 =	seq.s32 s7, s2  }
0x1e: {  	s7 =	smul.u32 @!p0 $0xF7A, s2;
	p2 =	seq.s32 @!p0 s5, $0x0  }
0x1f: {  	s9 =	smul.u32 $0xF7A, s1;
	s8 =	simm.s32 @!p0 $0x1BF5;
	p2 =	por !p2, p0  }
0x20: {  	[sflag:s8] =	ssyncset.s32 @!p0 $0xFFFFF086;
	s6 =	sadd.s32 @!p0 s3, s7;
	s7 =	simm.s32 @!p0 $0x108  }
0x21: {  	s3 =	sadd.s32 s3, s9;
	s6 =	sadd.s32 @!p0 $0x88, s6;
	s7 =	simm.s32 @p2 $0x1082  }
0x22: {  	[simem:s7], [sflag:s8] =	dma.local @!p0 [hbm:s6], $0xF7A  }
0x23: {  	s9 =	sor.u32 $0xD0000000, s2;
	s6 =	simm.s32 $0x108;
	_ =	swait.ge @!p0 [sflag:s8], $0x0  }
0x24: {  	s3 =	sadd.s32 $0x88, s3;
	s6 =	simm.s32 @!p1 $0x1082;
	[sflag:s4] =	ssyncset.s32 $0xFFFFF086  }
0x25: {  	[simem:s6], [sflag:s4] =	dma.local [hbm:s3], $0xF7A  }
0x26: {  	[smem:$0x3F9E] =	sst s1;
	(tag) =	ssettag s2;
	_ =	strace s9  }
0x27: {  	s1 =	sld [smem:$0x3FAE]  }
0x28: {  	s2 =	sld [smem:$0x3FAF]  }
0x29: {  	s4 =	sld [smem:$0x3FB1]  }
0x2a: {  	p0 =	seq.s32 s5, $0x0;
	s5 =	sld [smem:$0x3FB2]  }
0x2b: {  	s6 =	sld [smem:$0x3FB3]  }
0x2c: {  	s7 =	sld [smem:$0x3FB4]  }
0x2d: {  	s3 =	simm.s32 $0x108;
	s8 =	sld [smem:$0x3FB5]  }
0x2e: {  	s3 =	simm.s32 @!p0 $0x1082;
	s9 =	sld [smem:$0x3FB6]  }
0x2f: {  	lr =	sadd.s32 s0, s3;
	s0 =	sld [smem:$0x3FAD]  }
0x30: {  	s3 =	sld [smem:$0x3FB0]  }
0x31: {  	[smem:$0x3FB9] =	sst s10  }
0x32: {  	s10 =	sld [smem:$0x3FB7];
	_ =	sdelay $0x3  }
0x33: {  	p0 =	seq.s32 s10, $0x1;
	s10 =	sld [smem:$0x3FB9];
	_ =	sdelay $0x3  }
0x34: {  	[smem:$0x3FB9] =	sst s10  }
0x35: {  	s10 =	sld [smem:$0x3FB8];
	_ =	sdelay $0x3  }
0x36: {  	p1 =	seq.s32 s10, $0x1;
	s10 =	sld [smem:$0x3FB9];
	_ =	sdelay $0x3  }
0x37: {  	[smem:$0x3FB9] =	sst s10  }
0x38: {  	s10 =	sld [smem:$0x3FBA]  }
0x39: {  	_ = 	snop;
	(pc) =	sbr.ind lr, $3  }
0x3a: {  	_ = 	snop  }
0x3b: {  	_ = 	snop  }
0x3c: {  	p2 =	seq.s32 s10, $0x1;
	s10 =	sld [smem:$0x3FB9]  }
0x3d: {  	_ =	shalt  }
0x3e: {  	_ =	shalt  }
0x3f: {  	_ =	shalt  }
0x40: {  	_ =	shalt  }
0x41: {  	_ =	shalt  }
0x42: {  	_ =	shalt  }
0x43: {  	_ =	shalt  }
0x44: {  	_ =	shalt  }
0x45: {  	_ =	shalt  }
0x46: {  	_ =	shalt  }
0x47: {  	_ =	shalt  }
0x48: {  	_ =	shalt  }
0x49: {  	_ =	shalt  }
0x4a: {  	_ =	shalt  }
0x4b: {  	_ =	shalt  }
0x4c: {  	_ =	shalt  }
0x4d: {  	_ =	shalt  }
0x4e: {  	_ =	shalt  }
0x4f: {  	_ =	shalt  }
0x50: {  	_ =	shalt  }
0x51: {  	_ =	shalt  }
0x52: {  	_ =	shalt  }
0x53: {  	_ =	shalt  }
0x54: {  	_ =	shalt  }
0x55: {  	_ =	shalt  }
0x56: {  	_ =	shalt  }
0x57: {  	_ =	shalt  }
0x58: {  	_ =	shalt  }
0x59: {  	_ =	shalt  }
0x5a: {  	_ =	shalt  }
0x5b: {  	_ =	shalt  }
0x5c: {  	_ =	shalt  }
0x5d: {  	_ =	shalt  }
0x5e: {  	_ =	shalt  }
0x5f: {  	_ =	shalt  }
0x60: {  	_ =	shalt  }
0x61: {  	_ =	shalt  }
0x62: {  	_ =	shalt  }
0x63: {  	_ =	shalt  }
0x64: {  	_ =	shalt  }
0x65: {  	_ =	shalt  }
0x66: {  	_ =	shalt  }
0x67: {  	_ =	shalt  }
0x68: {  	_ =	shalt  }
0x69: {  	_ =	shalt  }
0x6a: {  	_ =	shalt  }
0x6b: {  	_ =	shalt  }
0x6c: {  	_ =	shalt  }
0x6d: {  	_ =	shalt  }
0x6e: {  	_ =	shalt  }
0x6f: {  	_ =	shalt  }
0x70: {  	_ =	shalt  }
0x71: {  	_ =	shalt  }
0x72: {  	_ =	shalt  }
0x73: {  	_ =	shalt  }
0x74: {  	_ =	shalt  }
0x75: {  	_ =	shalt  }
0x76: {  	_ =	shalt  }
0x77: {  	_ =	shalt  }
0x78: {  	_ =	shalt  }
0x79: {  	_ =	shalt  }
0x7a: {  	_ =	shalt  }
0x7b: {  	_ =	shalt  }
0x7c: {  	_ =	shalt  }
0x7d: {  	_ =	shalt  }
0x7e: {  	_ =	shalt  }
0x7f: {  	_ =	shalt  }
0x80: {  	_ =	shalt  }
0x81: {  	_ =	shalt  }
0x82: {  	_ =	shalt  }
0x83: {  	_ =	shalt  }
0x84: {  	_ =	shalt  }
0x85: {  	_ =	shalt  }
0x86: {  	_ =	shalt  }
0x87: {  	_ =	shalt  }
.Lfunc_end0:
.L_simem_size_0:
called_computation.1_lowered:
.L_overlay_start_0:
0x88: {  	s2 =	sld [smem:$0x3FD9]  }
0x89: {  	s3 =	sld [smem:$0x3FFE];
	_ =	sdelay $0x1  }
0x8a: {  	s1 =	srdreg.scid  }
0x8b: {  	s0 =	sand.u32 $0x1, s1  }
0x8c: {  	s17 =	sshll.u32 s0, $0xA;
	s2 =	sadd.s32 s3, s2  }
0x8d: {  	s2 =	sadd.s32 s2, s17  }
0x8e: {  	[smem:$0x3FC5] =	sst s2  }
0x8f: {  	_ = 	snop  }
0x90: {  	s2 =	sld [smem:$0x3FC8]  }
0x91: {  	s18 =	sld [smem:$0x3FC7];
	(tm) =	ssettm $0x1  }
0x92: {  	s4 =	sld [smem:$0x3FFB];
	_ =	sdelay $0x3  }
0x93: {  	_ =	strace s4  }
0x94: {  	s4 =	sld [smem:$0x3FFC];
	_ =	sdelay $0x3  }
0x95: {  	_ =	strace s4  }
0x96: {  	s4 =	sld [smem:$0x3FFD];
	_ =	sdelay $0x3  }
0x97: {  	_ =	strace s4  }
0x98: {  	_ =	strace $0x8FFFFFFF  }
0x99: {  	s19 =	sld [smem:$0x3FDB];
	_ =	sdelay $0x1  }
0x9a: {  	s5 =	simm.s32 $_scs_section_size  }
0x9b: {  	s6 =	simm.s32 $_size__tile_overlayer_lowered;
	s7 =	simm.s32 $_tile_overlayer_lowered  }
0x9c: {  	s22 =	simm.s32 $0x1BFF;
	s21 =	sshll.u32 s7, $0x1;
	s4 =	sadd.s32 s5, s19  }
0x9d: {  	s8 =	simm.s32 $0x0;
	s20 =	sshll.u32 s6, $0x1;
	s6 =	sadd.s32 s21, s4  }
0x9e: {  	[timem:s8], [sflag:s22] =	dma.local [hbm:s6], s20  }
0x9f: {  	_ =	swait.ge [sflag:s22], s20  }
0xa0: {  	s5 =	ssub.s32 $0x0, s20;
	[sflag:s22] =	ssyncset.done $0x0  }
0xa1: {  	[sflag:s22] =	ssyncadd.s32 s5;
	_ =	sdelay $0x1  }
0xa2: {  	s23 =	simm.s32 $0x1B8B  }
0xa3: {  	_ =	swait.ge [sflag:s23], $0x1  }
0xa4: {  	[sflag:s23] =	ssyncset.done $0x0  }
0xa5: {  	s25 =	simm.s32 $0x1B8E;
	s24 =	sld [smem:$0x3FFE];
	[sflag:s23] =	ssyncadd.s32 $0xFFFFFFFF  }
0xa6: {  	s26 =	simm.s32 $execute0_lowered;
	[smem:$0x3FD2] =	sst s25  }
0xa7: {  	s6 =	sshll.u32 s26, $0x1;
	_ =	strace $0x80000049;
	[dreg:$0x1] =	wrdreg $0xFFFFFFFF  }
0xa8: {  	s28 =	simm.s32 $_size_execute0_lowered;
	s4 =	sadd.s32 s4, s6;
	[dreg:$0x0] =	wrdreg $0x0  }
0xa9: {  	s6 =	sshll.u32 s28, $0x1;
	[dreg:$0x2] =	wrdreg s4  }
0xaa: {  	[dreg:$0x3] =	wrdreg s6  }
0xab: {  	[dreg:$0x4] =	wrdreg $0xC0  }
0xac: {  	_ =	task [dreg:s8], $0x5FFFF  }
0xad: {  	[dreg:$0x1] =	wrdreg $0xFFFFFFFF  }
0xae: {  	[dreg:$0x0] =	wrdreg $0x60  }
0xaf: {  	[dreg:$0x2] =	wrdreg s24  }
0xb0: {  	[dreg:$0x3] =	wrdreg s2  }
0xb1: {  	[dreg:$0x4] =	wrdreg s18  }
0xb2: {  	[dreg:$0x5] =	wrdreg $0x9  }
0xb3: {  	_ =	task.clear_ibuf [dreg:s8], $0x6FFFF;
	_ =	strace $0x90000049  }
0xb4: {  	s29 =	simm.s32 $0x9;
	_ =	strace $0x8000004B  }
0xb5: {  	_ =	swait.ge [sflag:s29], $0x1  }
0xb6: {  	[sflag:s29] =	ssyncadd.s32 $0xFFFFFFFF  }
0xb7: {  	_ =	strace $0x9000004B  }
0xb8: {  	_ =	sfence  }
0xb9: {  	s30 =	sld [smem:$0x0];
	_ =	sdelay $0x2  }
0xba: {  	s31 =	sshll.u32 s1, $0xD;
	s1 =	sshrl.u32 s1, $0x2  }
0xbb: {  	s3 =	sand.u32 $0x4000, s31;
	s1 =	sadd.s32 s1, s30  }
0xbc: {  	s0 =	sor.u32 s3, s0;
	s1 =	sshll.u32 s1, $0x11  }
0xbd: {  	s0 =	sor.u32 s1, s0  }
0xbe: {  	s0 =	sadd.s32 $0x8F2B, s0  }
0xbf: {  	[sflag:s0] =	ssyncadd.remote.s32 $0x1  }
0xc0: {  	_ =	sfence.sel $0xFFFF  }
0xc1: {  	[dreg:$0x0] =	wrdreg $0xFFFFFFFF;
	(pc) =	sbr.abs _section_cstart, $3  }
0xc2: {  	[dreg:$0x1] =	wrdreg $0xFFFFFFFF  }
0xc3: {  	_ =	task.clear_ibuf [dreg:s8], $0x2FFFF;
	_ =	strace $0x9FFFFFFF  }
0xc4: {  	(tm) =	ssettm $0x7FFFFFFF  }
0xc5: {  	_ =	shalt  }
tec
execute0_lowered:
.L_overlay_start_1:
0x0: {  	(tag) =	ssettag $0x1  }
0x1: {  	s6 =	rddreg [dreg:$0x0]  }
0x2: {  	s1 =	rddreg [dreg:$0x1]  }
0x3: {  	s3 =	rddreg [dreg:$0x2]  }
0x4: {  	s0 =	rddreg [dreg:$0x3];
	s5 =	srdreg.scid  }
0x5: {  	s4 =	simm.s32 $0x0;
	s2 =	stileid.u32;
	s11 =	simm.s32 $0x8600  }
0x6: {  	s12 =	simm.s32 $0x8400;
	s13 =	simm.s32 $0x8800;
	s14 =	simm.s32 $0x1  }
0x7: {  	s15 =	simm.s32 $0x2;
	s16 =	simm.s32 $0x3;
	s17 =	simm.s32 $0x0  }
0x8: {  	s5 =	sand.u32 $0x1, s5;
	[smem:$0x7FF] =	sst s4;
	s7 =	sshll.u32 s2, $0x6  }
0x9: {  	s8 =	sshll.u32 s5, $0x5;
	_ =	strace $0x8000004A;
	s30 =	ssub.s32 $0x2, s5  }
0xa: {  	s5 =	sadd.s32 $0x800, s6;
	s7 =	sor.u32 s8, s7;
	s10 =	sshrl.u32 s30, $0x1  }
0xb: {  	s9 =	sshll.u32 s7, $0x7;
	s10 =	ssub.s32 s30, s10;
	s31 =	sshll.u32 s7, $0xD  }
0xc: {  	s9 =	sadd.s32 s9, s6;
	s6 =	sshll.u32 s7, $0x10;
	s7 =	sadd.s32 s5, s31  }
0xd: {  	v0 =	vimm.f32 $0.0e+00;
	s8 =	sadd.s32 $0x800800, s9;
	s9 =	smax.u32 s10, $0x1;
	s10 =	simm.s32 $0x8200  }
.LBB2_1:
0xe: {  	s18 =	simm.s32 $0x8A00;
	s19 =	simm.s32 $0x0  }
.LBB2_2:
0xf: {  	v1 =	vmov s18;
	_ =	sdelay $0x3  }
0x10: {  	s20 =	simm.s32 $0x40;
	s21 =	simm.s32 $0x0  }
.LBB2_3:
0x11: {  	p0 =	sne.s32 s20, $0x1FC0;
	[tilespmem:v1+s21+$0x0 ss:$0x1] =	vst.idx.msk $0xffff, v0;
	s21 =	smov.u32 s20;
	s20 =	sadd.s32 $0x40, s20  }
.Ltmp0:
0x12: {  	(pc) =	sbr.rel @p0 .LBB2_3-.Ltmp0, $2  }
0x13: {  	_ =	sdelay $0x2  }
0x14: {  	s21 =	sshra.s32 s21, $0x2  }
0x15: {  	s19 =	sadd.s32 $0x1, s19  }
0x16: {  	p0 =	sne.s32 s19, $0x20  }
.Ltmp1:
0x17: {  	_ = 	snop;
	(pc) =	sbr.rel @p0 .LBB2_2-.Ltmp1, $2  }
0x18: {  	_ =	sdelay $0x2  }
0x19: {  	[tilespmem:v1+s21+$0x0 ss:$0x1] =	vst.idx.msk $0xffff, v0;
	s18 =	sadd.s32 $0x808, s18  }
0x1a: {  	s18 =	simm.s32 $0x820  }
0x1b: {  	s21 =	simm.s32 $0x0;
	s19 =	sadd.s32 $0x2000, s7;
	s20 =	smov.u32 s7  }
.LBB2_6:
0x1c: {  	[tilespmem:s21], [sflag:$0x1] =	stream.linear.gather [hbm4b:s20+s4], $0x200, $0x38;
	[tilespmem:$0x18B00] =	vst v63  }
0x1d: {  	s21 =	smov.u32 s18;
	s20 =	smov.u32 s19;
	p0 =	sne.s32 s18, $0xFBE0  }
.Ltmp2:
0x1e: {  	s18 =	sadd.s32 $0x820, s18;
	(pc) =	sbr.rel @p0 .LBB2_6-.Ltmp2, $2  }
0x1f: {  	_ =	sdelay $0x2  }
0x20: {  	s19 =	sadd.s32 $0x2000, s19;
	s21 =	sshra.s32 s21, $0x2  }
0x21: {  	[tilespmem:s21], [sflag:$0x1] =	stream.linear.gather [hbm4b:s20+s4], $0x200, $0x38;
	[tilespmem:$0x18B00] =	vst v63  }
0x22: {  	s18 =	simm.s32 $0x0  }
0x23: {  	[tilespmem:s10], [sflag:$0x1] =	stream.linear.gather [hbm4b:s1+s18], $0x200, $0x38;
	[tilespmem:$0x18B00] =	vst v63  }
0x24: {  	_ = 	snop  }
0x25: {  	[tilespmem:s11], [sflag:$0x1] =	stream.linear.gather [hbm4b:s3+s18], $0x200, $0x38;
	[tilespmem:$0x18B00] =	vst v63  }
.LBB2_8:
0x26: {  	s19 =	sshll.u32 s18, $0xA  }
0x27: {  	s20 =	sor.u32 $0x200, s19  }
0x28: {  	s21 =	sor.u32 s6, s20  }
0x29: {  	s21 =	sshrl.u32 s21, $0x3  }
0x2a: {  	s22 =	simm.s32 $0x4100;
	s21 =	sadd.s32 s5, s21  }
0x2b: {  	[tilespmem:s22], [sflag:$0x2] =	stream.linear.gather [hbm4b:s21+s4], $0x200, $0x38;
	[tilespmem:$0x18B00] =	vst v63  }
0x2c: {  	s22 =	simm.s32 $0x820  }
.LBB2_9:
0x2d: {  	p0 =	sne.s32 s22, $0xFBE0  }
.Ltmp3:
0x2e: {  	_ = 	snop;
	(pc) =	sbr.rel @p0 .LBB2_9-.Ltmp3, $4  }
0x2f: {  	_ = 	snop  }
0x30: {  	s23 =	sshra.s32 s22, $0x2;
	s22 =	sadd.s32 $0x820, s22  }
0x31: {  	s21 =	sadd.s32 $0x2000, s21;
	s23 =	sadd.s32 $0x4100, s23  }
0x32: {  	[tilespmem:s23], [sflag:$0x2] =	stream.linear.gather [hbm4b:s21+s4], $0x200, $0x38;
	[tilespmem:$0x18B00] =	vst v63  }
0x33: {  	s20 =	sshrl.u32 s20, $0x3  }
0x34: {  	s22 =	simm.s32 $0x0;
	s21 =	sadd.s32 s1, s20  }
0x35: {  	[tilespmem:s12], [sflag:$0x2] =	stream.linear.gather [hbm4b:s21+s22], $0x200, $0x38;
	[tilespmem:$0x18B00] =	vst v63  }
0x36: {  	s20 =	sadd.s32 s3, s20  }
0x37: {  	[tilespmem:s13], [sflag:$0x2] =	stream.linear.gather [hbm4b:s20+s22], $0x200, $0x38;
	[tilespmem:$0x18B00] =	vst v63  }
0x38: {  	_ =	swait.ge [sflag:s14], $0x4000  }
0x39: {  	[sflag:s14] =	ssyncset.done $0x0  }
0x3a: {  	[sflag:s14] =	ssyncadd.s32 $0xFFFFC000  }
0x3b: {  	_ =	swait.ge [sflag:s14], $0x200  }
0x3c: {  	[sflag:s14] =	ssyncset.done $0x0  }
0x3d: {  	[sflag:s14] =	ssyncadd.s32 $0xFFFFFE00  }
0x3e: {  	_ =	swait.ge [sflag:s14], $0x200  }
0x3f: {  	[sflag:s14] =	ssyncset.done $0x0  }
0x40: {  	s20 =	simm.s32 $0x0;
	[sflag:s14] =	ssyncadd.s32 $0xFFFFFE00  }
0x41: {  	v1 =	vld [tilespmem:s20+$0x8600]  }
0x42: {  	v2 =	vld [tilespmem:s20+$0x8200];
	_ =	sdelay $0x3  }
0x43: {  	v1 =	vshll.u32 v1, $0xA  }
0x44: {  	s21 =	simm.s32 $0x80;
	s22 =	simm.s32 $0x10;
	v1 =	vadd.s32 v2, v1  }
.LBB2_11:
0x45: {  	p0 =	sne.s32 s21, $0x7C0;
	v2 =	vld [tilespmem:s22+$0x8600];
	[tilespmem:s20+$0x8200] =	vst v1;
	s20 =	smov.u32 s22  }
0x46: {  	v1 =	vld [tilespmem:s20+$0x8200]  }
.Ltmp4:
0x47: {  	(pc) =	sbr.rel @p0 .LBB2_11-.Ltmp4, $3  }
0x48: {  	_ =	sdelay $0x1  }
0x49: {  	v2 =	vshll.u32 v2, $0xA  }
0x4a: {  	s22 =	sshra.s32 s21, $0x2;
	s21 =	sadd.s32 $0x40, s21;
	v1 =	vadd.s32 v1, v2  }
0x4b: {  	v2 =	vld [tilespmem:s22+$0x8600];
	[tilespmem:s20+$0x8200] =	vst v1  }
0x4c: {  	v1 =	vld [tilespmem:s22+$0x8200]  }
0x4d: {  	p0 =	seq.s32 s18, $0x3F  }
.Ltmp5:
0x4e: {  	_ = 	snop;
	(pc) =	sbr.rel @p0 .LBB2_16-.Ltmp5, $4  }
0x4f: {  	_ = 	snop  }
0x50: {  	v2 =	vshll.u32 v2, $0xA  }
0x51: {  	v1 =	vadd.s32 v1, v2  }
0x52: {  	[tilespmem:s22+$0x8200] =	vst v1  }
0x53: {  	s19 =	sadd.s32 $0x400, s19  }
0x54: {  	s20 =	sor.u32 s6, s19  }
0x55: {  	s20 =	sshrl.u32 s20, $0x3  }
0x56: {  	s20 =	sadd.s32 s5, s20  }
0x57: {  	s21 =	simm.s32 $0x820;
	s23 =	simm.s32 $0x0;
	s22 =	sadd.s32 $0x2000, s20  }
.LBB2_14:
0x58: {  	[tilespmem:s23], [sflag:$0x1] =	stream.linear.gather [hbm4b:s20+s4], $0x200, $0x38;
	[tilespmem:$0x18B00] =	vst v63  }
0x59: {  	s23 =	smov.u32 s21;
	s20 =	smov.u32 s22;
	p0 =	sne.s32 s21, $0xFBE0  }
.Ltmp6:
0x5a: {  	s21 =	sadd.s32 $0x820, s21;
	(pc) =	sbr.rel @p0 .LBB2_14-.Ltmp6, $2  }
0x5b: {  	_ =	sdelay $0x2  }
0x5c: {  	s22 =	sadd.s32 $0x2000, s22;
	s23 =	sshra.s32 s23, $0x2  }
0x5d: {  	[tilespmem:s23], [sflag:$0x1] =	stream.linear.gather [hbm4b:s20+s4], $0x200, $0x38;
	[tilespmem:$0x18B00] =	vst v63  }
0x5e: {  	s19 =	sshrl.u32 s19, $0x3  }
0x5f: {  	s31 =	sadd.s32 s1, s19  }
0x60: {  	[tilespmem:s10], [sflag:$0x1] =	stream.linear.gather [hbm4b:s31+s4], $0x200, $0x38;
	[tilespmem:$0x18B00] =	vst v63  }
0x61: {  	s19 =	sadd.s32 s3, s19  }
0x62: {  	[tilespmem:s11], [sflag:$0x1] =	stream.linear.gather [hbm4b:s19+s4], $0x200, $0x38;
	[tilespmem:$0x18B00] =	vst v63  }
.LBB2_16:
0x63: {  	_ =	swait.ge [sflag:s15], $0x4000  }
0x64: {  	[sflag:s15] =	ssyncset.done $0x0  }
0x65: {  	[sflag:s15] =	ssyncadd.s32 $0xFFFFC000  }
0x66: {  	_ =	swait.ge [sflag:s15], $0x200  }
0x67: {  	[sflag:s15] =	ssyncset.done $0x0  }
0x68: {  	[sflag:s15] =	ssyncadd.s32 $0xFFFFFE00  }
0x69: {  	_ =	swait.ge [sflag:s15], $0x200  }
0x6a: {  	[sflag:s15] =	ssyncset.done $0x0  }
0x6b: {  	s19 =	simm.s32 $0x0;
	[sflag:s15] =	ssyncadd.s32 $0xFFFFFE00  }
0x6c: {  	v1 =	vld [tilespmem:s19+$0x8800]  }
0x6d: {  	v2 =	vld [tilespmem:s19+$0x8400];
	_ =	sdelay $0x3  }
0x6e: {  	v1 =	vshll.u32 v1, $0xA  }
0x6f: {  	s20 =	simm.s32 $0x10;
	s21 =	simm.s32 $0x80;
	v1 =	vadd.s32 v2, v1  }
.LBB2_17:
0x70: {  	p0 =	sne.s32 s21, $0x7C0;
	v2 =	vld [tilespmem:s20+$0x8800];
	[tilespmem:s19+$0x8400] =	vst v1;
	s19 =	smov.u32 s20  }
0x71: {  	v1 =	vld [tilespmem:s19+$0x8400]  }
.Ltmp7:
0x72: {  	(pc) =	sbr.rel @p0 .LBB2_17-.Ltmp7, $3  }
0x73: {  	_ =	sdelay $0x1  }
0x74: {  	v2 =	vshll.u32 v2, $0xA  }
0x75: {  	s20 =	sshra.s32 s21, $0x2;
	s21 =	sadd.s32 $0x40, s21;
	v1 =	vadd.s32 v1, v2  }
0x76: {  	v2 =	vld [tilespmem:s20+$0x8800];
	[tilespmem:s19+$0x8400] =	vst v1  }
0x77: {  	s18 =	sadd.s32 $0x1, s18;
	v1 =	vld [tilespmem:s20+$0x8400]  }
0x78: {  	p0 =	sne.s32 s18, $0x40  }
.Ltmp8:
0x79: {  	_ = 	snop;
	(pc) =	sbr.rel @p0 .LBB2_8-.Ltmp8, $4  }
0x7a: {  	_ = 	snop  }
0x7b: {  	v2 =	vshll.u32 v2, $0xA  }
0x7c: {  	v1 =	vadd.s32 v1, v2  }
0x7d: {  	[tilespmem:s20+$0x8400] =	vst v1  }
0x7e: {  	s18 =	simm.s32 $0x0;
	s19 =	simm.s32 $0x8A00  }
.LBB2_20:
0x7f: {  	v1 =	vmov s19;
	_ =	sdelay $0x3  }
0x80: {  	s20 =	simm.s32 $0x0  }
0x81: {  	s21 =	simm.s32 $0x40;
	v2 =	vld.idx.msk [tilespmem:v1+s20+$0x0 ss:$0x1], $0xffff  }
.LBB2_21:
0x82: {  	p0 =	sne.s32 s21, $0xFC0;
	v3 =	vld.idx.msk [tilespmem:v1+s20+$0x400 ss:$0x1], $0xffff;
	_ =	sdelay $0x4  }
.Ltmp9:
0x83: {  	(pc) =	sbr.rel @p0 .LBB2_21-.Ltmp9, $3  }
0x84: {  	v2 =	vsub.f32 v3, v2;
	_ =	sdelay $0x1  }
0x85: {  	[tilespmem:v1+s20+$0x0 ss:$0x1] =	vst.idx.msk $0xffff, v2;
	s20 =	sshra.s32 s21, $0x2  }
0x86: {  	s21 =	sadd.s32 $0x40, s21;
	v2 =	vld.idx.msk [tilespmem:v1+s20+$0x0 ss:$0x1], $0xffff  }
0x87: {  	_ =	sdelay $0x3  }
0x88: {  	v3 =	vld.idx.msk [tilespmem:v1+s20+$0x400 ss:$0x1], $0xffff  }
0x89: {  	s18 =	sadd.s32 $0x1, s18  }
0x8a: {  	p0 =	sne.s32 s18, $0x20  }
.Ltmp10:
0x8b: {  	_ = 	snop;
	(pc) =	sbr.rel @p0 .LBB2_20-.Ltmp10, $3  }
0x8c: {  	_ = 	snop  }
0x8d: {  	v2 =	vsub.f32 v3, v2;
	_ =	sdelay $0x1  }
0x8e: {  	s19 =	sadd.s32 $0x808, s19;
	[tilespmem:v1+s20+$0x0 ss:$0x1] =	vst.idx.msk $0xffff, v2  }
0x8f: {  	s18 =	simm.s32 $0x8A00  }
0x90: {  	s19 =	simm.s32 $0x80;
	s21 =	sadd.s32 $0x0, s8;
	s20 =	simm.s32 $0x9208  }
.LBB2_24:
0x91: {  	[hbm4b:s21+s4] =	stream.linear.scatter [tilespmem:s18], [sflag:$0x3], $0x400, $0x38;
	[tilespmem:$0x18B00] =	vst v63  }
0x92: {  	s21 =	smov.u32 s19;
	s18 =	smov.u32 s20;
	p0 =	sne.s32 s19, $0xF80  }
.Ltmp11:
0x93: {  	s19 =	sadd.s32 $0x80, s19;
	(pc) =	sbr.rel @p0 .LBB2_24-.Ltmp11, $2  }
0x94: {  	_ =	sdelay $0x2  }
0x95: {  	s20 =	sadd.s32 $0x808, s20;
	s21 =	sadd.s32 s21, s8  }
0x96: {  	s17 =	sadd.s32 $0x1, s17  }
0x97: {  	p0 =	sne.s32 s17, s9  }
.Ltmp12:
0x98: {  	_ = 	snop;
	(pc) =	sbr.rel @p0 .LBB2_1-.Ltmp12, $4  }
0x99: {  	[hbm4b:s21+s4] =	stream.linear.scatter [tilespmem:s18], [sflag:$0x3], $0x400, $0x38;
	[tilespmem:$0x18B00] =	vst v63  }
0x9a: {  	_ =	swait.ge [sflag:s16], $0x8000  }
0x9b: {  	[sflag:s16] =	ssyncset.done $0x0  }
0x9c: {  	[sflag:s16] =	ssyncadd.s32 $0xFFFF8000  }
0x9d: {  	_ =	sfence.sel $0x180000  }
0x9e: {  	[bflag:$0x0] =	sbarrier.arrive $0xFFFF  }
0x9f: {  	p0 =	sne.s32 s2, $0x0;
	_ =	strace $0x9000004A  }
0xa0: {  	s0 =	sadd.s32 @!p0 $0x100000, s0;
	[bflag:$0x2] =	sbarrier.arrive $0xFFFF  }
0xa1: {  	[sflag:s0] =	ssyncadd.tile.s32 @!p0 $0x1;
	_ =	shalt  }
.Lfunc_end2:
_tile_overlayer_lowered:
.L_overlay_start_2:
0xa2: {  	(tag) =	ssettag $0x2  }
0xa3: {  	s0 =	rddreg [dreg:$0x0];
	s2 =	stileid.u32  }
0xa4: {  	s1 =	rddreg [dreg:$0x1];
	p0 =	sne.s32 s2, $0x0  }
0xa5: {  	s3 =	rddreg [dreg:$0x2];
	[bflag:$0x3] =	sbarrier.arrive $0xFFFF;
	s2 =	simm.s32 @!p0 $0x1C03  }
0xa6: {  	[timem:s3], [sflag:s2] =	dma.local @!p0 [hbm:s0], s1  }
0xa7: {  	s0 =	simm.s32 @!p0 $0x3  }
0xa8: {  	_ =	swait.ge @!p0 [sflag:s0], s1  }
0xa9: {  	s1 =	ssub.s32 @!p0 $0x0, s1;
	[sflag:s0] =	ssyncset.done @!p0 $0x0  }
0xaa: {  	[sflag:s0] =	ssyncadd.s32 @!p0 s1  }
0xab: {  	[bflag:$0x3] =	sbarrier.arrive $0xFFFF  }
0xac: {  	_ =	shalt  }

// kernel: sparse-core-data-format-call.cloned.1.call-start
scs
called_computation_lowered:
.L_overlay_start_0:
0x0: {  	s2 =	sld [smem:$0x3FD9]  }
0x1: {  	s3 =	sld [smem:$0x3FFE];
	_ =	sdelay $0x1  }
0x2: {  	s1 =	srdreg.scid  }
0x3: {  	s0 =	sand.u32 $0x1, s1  }
0x4: {  	s18 =	sshll.u32 s0, $0xA;
	s2 =	sadd.s32 s3, s2  }
0x5: {  	s2 =	sadd.s32 s2, s18  }
0x6: {  	[smem:$0x3FC5] =	sst s2  }
0x7: {  	_ = 	snop  }
0x8: {  	s2 =	sld [smem:$0x3FC9];
	(tm) =	ssettm $0x1  }
0x9: {  	s19 =	sld [smem:$0x3FFB];
	_ =	sdelay $0x3  }
0xa: {  	_ =	strace s19  }
0xb: {  	s3 =	sld [smem:$0x3FFC];
	_ =	sdelay $0x3  }
0xc: {  	_ =	strace s3  }
0xd: {  	s3 =	sld [smem:$0x3FFD];
	_ =	sdelay $0x3  }
0xe: {  	_ =	strace s3  }
0xf: {  	_ =	strace $0x8FFFFFFF  }
0x10: {  	s20 =	sld [smem:$0x3FDB];
	_ =	sdelay $0x1  }
0x11: {  	s4 =	simm.s32 $_scs_section_size  }
0x12: {  	s5 =	simm.s32 $_size__tile_overlayer_lowered;
	s6 =	simm.s32 $_tile_overlayer_lowered  }
0x13: {  	s23 =	simm.s32 $0x1BFF;
	s22 =	sshll.u32 s6, $0x1;
	s3 =	sadd.s32 s4, s20  }
0x14: {  	s7 =	simm.s32 $0x0;
	s21 =	sshll.u32 s5, $0x1;
	s5 =	sadd.s32 s22, s3  }
0x15: {  	[timem:s7], [sflag:s23] =	dma.local [hbm:s5], s21  }
0x16: {  	_ =	swait.ge [sflag:s23], s21  }
0x17: {  	s4 =	ssub.s32 $0x0, s21;
	[sflag:s23] =	ssyncset.done $0x0  }
0x18: {  	[sflag:s23] =	ssyncadd.s32 s4;
	_ =	sdelay $0x1  }
0x19: {  	s24 =	simm.s32 $0x1B8B  }
0x1a: {  	_ =	swait.ge [sflag:s24], $0x1  }
0x1b: {  	[sflag:s24] =	ssyncset.done $0x0  }
0x1c: {  	s26 =	simm.s32 $0x1B8E;
	s25 =	sld [smem:$0x3FFE];
	[sflag:s24] =	ssyncadd.s32 $0xFFFFFFFF  }
0x1d: {  	s27 =	simm.s32 $execute0_lowered;
	[smem:$0x3FD2] =	sst s26  }
0x1e: {  	s5 =	sshll.u32 s27, $0x1;
	_ =	strace $0x80000046;
	[dreg:$0x1] =	wrdreg $0xFFFFFFFF  }
0x1f: {  	s28 =	simm.s32 $_size_execute0_lowered;
	s3 =	sadd.s32 s3, s5;
	[dreg:$0x0] =	wrdreg $0x0  }
0x20: {  	s5 =	sshll.u32 s28, $0x1;
	[dreg:$0x2] =	wrdreg s3  }
0x21: {  	[dreg:$0x3] =	wrdreg s5  }
0x22: {  	[dreg:$0x4] =	wrdreg $0xC0  }
0x23: {  	_ =	task [dreg:s7], $0x5FFFF  }
0x24: {  	[dreg:$0x1] =	wrdreg $0xFFFFFFFF  }
0x25: {  	[dreg:$0x0] =	wrdreg $0x60  }
0x26: {  	[dreg:$0x2] =	wrdreg s2  }
0x27: {  	[dreg:$0x3] =	wrdreg s25  }
0x28: {  	[dreg:$0x4] =	wrdreg $0x9  }
0x29: {  	_ =	task.clear_ibuf [dreg:s7], $0x5FFFF;
	_ =	strace $0x90000046  }
0x2a: {  	s29 =	simm.s32 $0x9;
	_ =	strace $0x80000048  }
0x2b: {  	_ =	swait.ge [sflag:s29], $0x1  }
0x2c: {  	[sflag:s29] =	ssyncadd.s32 $0xFFFFFFFF  }
0x2d: {  	_ =	strace $0x90000048  }
0x2e: {  	_ =	sfence  }
0x2f: {  	s30 =	sld [smem:$0x0];
	_ =	sdelay $0x2  }
0x30: {  	s31 =	sshll.u32 s1, $0xD;
	s1 =	sshrl.u32 s1, $0x2  }
0x31: {  	s3 =	sand.u32 $0x4000, s31;
	s1 =	sadd.s32 s1, s30  }
0x32: {  	s0 =	sor.u32 s3, s0;
	s1 =	sshll.u32 s1, $0x11  }
0x33: {  	s0 =	sor.u32 s1, s0  }
0x34: {  	s0 =	sadd.s32 $0x8F2B, s0  }
0x35: {  	[sflag:s0] =	ssyncadd.remote.s32 $0x1  }
0x36: {  	_ =	sfence.sel $0xFFFF  }
0x37: {  	[dreg:$0x0] =	wrdreg $0xFFFFFFFF;
	(pc) =	sbr.abs _section_cstart, $3  }
0x38: {  	[dreg:$0x1] =	wrdreg $0xFFFFFFFF  }
0x39: {  	_ =	task.clear_ibuf [dreg:s7], $0x2FFFF;
	_ =	strace $0x9FFFFFFF  }
0x3a: {  	(tm) =	ssettm $0x7FFFFFFF  }
0x3b: {  	_ =	shalt  }
tec
execute0_lowered:
.L_overlay_start_1:
0x0: {  	(tag) =	ssettag $0x1  }
0x1: {  	s2 =	rddreg [dreg:$0x0]  }
0x2: {  	s1 =	rddreg [dreg:$0x1]  }
0x3: {  	s0 =	rddreg [dreg:$0x2];
	_ =	strace $0x80000047;
	s4 =	srdreg.scid  }
0x4: {  	s6 =	simm.s32 $0x2;
	s11 =	simm.s32 $0x0;
	p0 =	por $0x0, $0x0  }
.Ltmp0:
0x5: {  	s7 =	simm.s32 $0x10000;
	s12 =	simm.s32 $0x0;
	(pc) =	sbr.rel .LBB1_1-.Ltmp0, $4  }
0x6: {  	s9 =	simm.s32 $0x0;
	s3 =	sadd.s32 $0x800, s1;
	s5 =	sshll.u32 s4, $0x4  }
0x7: {  	s1 =	stileid.u32;
	s4 =	simm.s32 $0x1;
	s5 =	sand.u32 $0x10, s5  }
0x8: {  	s8 =	simm.s32 $0x0;
	[sflag:s4] =	ssyncpa.u1 $0x0;
	s5 =	sor.u32 s1, s5  }
0x9: {  	[sflag:s6] =	ssyncpa.u1 $0x0;
	s6 =	simm.s32 $0x800;
	s10 =	smov.u32 s5  }
.LBB1_7:
0xa: {  	s13 =	sadd.s32 $0x10, s9  }
0xb: {  	s11 =	sadd.s32 $0x20, s10;
	s15 =	smov.u32 s10;
	p2 =	sgt.s32 s13, $0x1FF  }
0xc: {  	p1 =	slt.u32 s8, $0x2;
	s15 =	smov.u32 @p2 s11  }
0xd: {  	s8 =	sadd.s32 $0x1, s8;
	s13 =	simm.s32 @p2 $0x0;
	p2 =	sgt.s32 s15, $0x7F  }
0xe: {  	s15 =	smov.u32 @p2 s5;
	p2 =	sne.s32 s8, $0x82  }
.Ltmp1:
0xf: {  	_ = 	snop;
	(pc) =	sbr.rel @!p2 .LBB1_8-.Ltmp1, $4  }
0x10: {  	s14 =	simm.s32 @!p1 $0x2  }
0x11: {  	s12 =	smov.u32 s10;
	_ =	swait.ge @!p1 [sflag:s14], $0x4000  }
0x12: {  	p0 =	por !p0, !p0;
	s11 =	smov.u32 s9;
	[sflag:s14] =	ssyncset.done @!p1 $0x0  }
0x13: {  	s9 =	smov.u32 s13;
	[sflag:s14] =	ssyncadd.s32 @!p1 $0xFFFFC000;
	s10 =	smov.u32 s15  }
.LBB1_1:
0x14: {  	p1 =	sgt.u32 s8, $0x7F  }
0x15: {  	s13 =	sxor.u32 @!p1 $0xFFFFFFFF, s8;
	s14 =	sshll.u32 @!p1 s10, $0x10  }
0x16: {  	s15 =	sshll.u32 @!p1 s9, $0x7;
	s13 =	sshll.u32 @!p1 s13, $0xE;
	s14 =	sadd.s32 @!p1 s2, s14  }
0x17: {  	s13 =	sand.u32 @!p1 $0x4000, s13;
	s14 =	sadd.s32 @!p1 s15, s14;
	s15 =	simm.s32 @!p1 $0x0  }
0x18: {  	[tilespmem:s13], [sflag:$0x1] =	stream.linear.gather @!p1 [hbm4b:s14+s15], $0x4000, $0x38;
	[tilespmem:$0x10000] =	vst v63  }
0x19: {  	p1 =	seq.s32 s8, $0x0  }
0x1a: {  	p2 =	seq.s32 @!p1 s8, $0x81  }
0x1b: {  	p1 =	por p1, p2  }
.Ltmp2:
0x1c: {  	_ = 	snop;
	(pc) =	sbr.rel @p1 .LBB1_7-.Ltmp2, $1  }
0x1d: {  	_ =	sdelay $0x3  }
0x1e: {  	s13 =	simm.s32 $0x1;
	_ =	swait.ge [sflag:s4], $0x4000;
	s16 =	sshll.u32 s8, $0xE  }
0x1f: {  	s13 =	simm.s32 @!p0 $0x0;
	[sflag:s4] =	ssyncset.done $0x0;
	s31 =	sand.u32 $0x4000, s16  }
0x20: {  	s16 =	simm.s32 $0x0;
	s14 =	sshll.u32 s13, $0xE;
	[sflag:s4] =	ssyncadd.s32 $0xFFFFC000  }
0x21: {  	s13 =	sor.u32 $0x8040, s14;
	s15 =	sor.u32 $0x40, s14;
	s14 =	sor.u32 $0x8000, s31  }
.LBB1_3:
0x22: {  	v0 =	vmov s15;
	_ =	sdelay $0x3  }
0x23: {  	s18 =	simm.s32 $0x0  }
0x24: {  	v6 =	vld.idx.msk [tilespmem:v0+s18+$0x30 ss:$0x1], $0xffff  }
0x25: {  	v7 =	vld.idx.msk [tilespmem:v0+s18+$0xFFFFFFC0 ss:$0x1], $0xffff  }
0x26: {  	v5 =	vld.idx.msk [tilespmem:v0+s18+$0xFFFFFFD0 ss:$0x1], $0xffff  }
0x27: {  	v4 =	vld.idx.msk [tilespmem:v0+s18+$0xFFFFFFE0 ss:$0x1], $0xffff  }
0x28: {  	v3 =	vld.idx.msk [tilespmem:v0+s18+$0xFFFFFFF0 ss:$0x1], $0xffff  }
0x29: {  	v1 =	vld.idx.msk [tilespmem:v0+s18+$0x0 ss:$0x1], $0xffff  }
0x2a: {  	v2 =	vld.idx.msk [tilespmem:v0+s18+$0x10 ss:$0x1], $0xffff;
	[tilespmem:s13+$0x30] =	vst v6  }
0x2b: {  	s17 =	simm.s32 $0x80;
	s19 =	simm.s32 $0x400;
	[tilespmem:s13+$0xFFFFFFC0] =	vst v7;
	v6 =	vld.idx.msk [tilespmem:v0+s18+$0x20 ss:$0x1], $0xffff;
	s18 =	smov.u32 s13  }
.LBB1_4:
0x2c: {  	p1 =	sne.s32 s19, $0xE00;
	v7 =	vld.idx.msk [tilespmem:v0+s17+$0x30 ss:$0x1], $0xffff;
	[tilespmem:s18+$0xFFFFFFD0] =	vst v5  }
0x2d: {  	v8 =	vld.idx.msk [tilespmem:v0+s17+$0xFFFFFFC0 ss:$0x1], $0xffff;
	[tilespmem:s18+$0xFFFFFFE0] =	vst v4  }
0x2e: {  	v5 =	vld.idx.msk [tilespmem:v0+s17+$0xFFFFFFD0 ss:$0x1], $0xffff;
	[tilespmem:s18+$0xFFFFFFF0] =	vst v3  }
.Ltmp3:
0x2f: {  	v4 =	vld.idx.msk [tilespmem:v0+s17+$0xFFFFFFE0 ss:$0x1], $0xffff;
	[tilespmem:s18+$0x0] =	vst v1;
	(pc) =	sbr.rel @p1 .LBB1_4-.Ltmp3, $4  }
0x30: {  	v3 =	vld.idx.msk [tilespmem:v0+s17+$0xFFFFFFF0 ss:$0x1], $0xffff;
	[tilespmem:s18+$0x10] =	vst v2  }
0x31: {  	v1 =	vld.idx.msk [tilespmem:v0+s17+$0x0 ss:$0x1], $0xffff;
	[tilespmem:s18+$0x20] =	vst v6;
	s18 =	sadd.s32 $0x800, s18  }
0x32: {  	v2 =	vld.idx.msk [tilespmem:v0+s17+$0x10 ss:$0x1], $0xffff;
	[tilespmem:s18+$0x30] =	vst v7  }
0x33: {  	[tilespmem:s18+$0xFFFFFFC0] =	vst v8;
	v6 =	vld.idx.msk [tilespmem:v0+s17+$0x20 ss:$0x1], $0xffff;
	s17 =	sshra.s32 s19, $0x2;
	s19 =	sadd.s32 $0x200, s19  }
0x34: {  	_ =	sdelay $0x2  }
0x35: {  	[tilespmem:s18+$0xFFFFFFD0] =	vst v5  }
0x36: {  	v56 =	vld.idx.msk [tilespmem:v0+s17+$0x30 ss:$0x1], $0xffff;
	[tilespmem:s18+$0xFFFFFFE0] =	vst v4  }
0x37: {  	v57 =	vld.idx.msk [tilespmem:v0+s17+$0xFFFFFFC0 ss:$0x1], $0xffff;
	[tilespmem:s18+$0xFFFFFFF0] =	vst v3  }
0x38: {  	v58 =	vld.idx.msk [tilespmem:v0+s17+$0xFFFFFFD0 ss:$0x1], $0xffff;
	[tilespmem:s18+$0x0] =	vst v1  }
0x39: {  	v59 =	vld.idx.msk [tilespmem:v0+s17+$0xFFFFFFE0 ss:$0x1], $0xffff;
	[tilespmem:s18+$0x10] =	vst v2  }
0x3a: {  	v60 =	vld.idx.msk [tilespmem:v0+s17+$0xFFFFFFF0 ss:$0x1], $0xffff;
	s31 =	sadd.s32 $0x800, s18;
	[tilespmem:s18+$0x20] =	vst v6  }
0x3b: {  	v61 =	vld.idx.msk [tilespmem:v0+s17+$0x0 ss:$0x1], $0xffff;
	[tilespmem:s31+$0x30] =	vst v56  }
0x3c: {  	v62 =	vld.idx.msk [tilespmem:v0+s17+$0x10 ss:$0x1], $0xffff;
	s16 =	sadd.s32 $0x1, s16;
	[tilespmem:s31+$0xFFFFFFC0] =	vst v57  }
0x3d: {  	v63 =	vld.idx.msk [tilespmem:v0+s17+$0x20 ss:$0x1], $0xffff;
	p1 =	sne.s32 s16, $0x10;
	[tilespmem:s31+$0xFFFFFFD0] =	vst v58  }
.Ltmp4:
0x3e: {  	[tilespmem:s31+$0xFFFFFFE0] =	vst v59;
	(pc) =	sbr.rel @p1 .LBB1_3-.Ltmp4, $4  }
0x3f: {  	[tilespmem:s31+$0xFFFFFFF0] =	vst v60  }
0x40: {  	[tilespmem:s31+$0x0] =	vst v61  }
0x41: {  	[tilespmem:s31+$0x10] =	vst v62  }
0x42: {  	s13 =	sadd.s32 $0x80, s13;
	s15 =	sadd.s32 $0x400, s15;
	[tilespmem:s31+$0x20] =	vst v63  }
.Ltmp5:
0x43: {  	(pc) =	sbr.rel .LBB1_7-.Ltmp5, $4  }
0x44: {  	s12 =	sshll.u32 s12, $0x10;
	s11 =	sshll.u32 s11, $0x4  }
0x45: {  	s11 =	sand.u32 $0x1FF0, s11;
	s12 =	sadd.s32 s3, s12  }
0x46: {  	s11 =	sadd.s32 s11, s12  }
0x47: {  	[hbm4b:s11+s6] =	stream.strided.scatter [tilespmem:s14], [sflag:$0x2], $0x4000, s7, s6, $0x38;
	[tilespmem:$0x10000] =	vst v63  }
.LBB1_8:
0x48: {  	_ =	sfence.sel $0x180000  }
0x49: {  	s2 =	simm.s32 $0x1;
	[bflag:$0x0] =	sbarrier.arrive $0xFFFF  }
0x4a: {  	s31 =	simm.s32 $0x2;
	[sflag:s2] =	ssyncpa.u1 $0x1  }
0x4b: {  	[sflag:s31] =	ssyncpa.u1 $0x1  }
0x4c: {  	p0 =	sne.s32 s1, $0x0;
	_ =	strace $0x90000047  }
0x4d: {  	s0 =	sadd.s32 @!p0 $0x100000, s0;
	[bflag:$0x2] =	sbarrier.arrive $0xFFFF  }
0x4e: {  	[sflag:s0] =	ssyncadd.tile.s32 @!p0 $0x1;
	_ =	shalt  }
.Lfunc_end1:
_tile_overlayer_lowered:
.L_overlay_start_2:
0x4f: {  	(tag) =	ssettag $0x2  }
0x50: {  	s0 =	rddreg [dreg:$0x0];
	s2 =	stileid.u32  }
0x51: {  	s1 =	rddreg [dreg:$0x1];
	p0 =	sne.s32 s2, $0x0  }
0x52: {  	s3 =	rddreg [dreg:$0x2];
	[bflag:$0x3] =	sbarrier.arrive $0xFFFF;
	s2 =	simm.s32 @!p0 $0x1C01  }
0x53: {  	[timem:s3], [sflag:s2] =	dma.local @!p0 [hbm:s0], s1  }
0x54: {  	s0 =	simm.s32 @!p0 $0x1  }
0x55: {  	_ =	swait.ge @!p0 [sflag:s0], s1  }
0x56: {  	s1 =	ssub.s32 @!p0 $0x0, s1;
	[sflag:s0] =	ssyncset.done @!p0 $0x0  }
0x57: {  	[sflag:s0] =	ssyncadd.s32 @!p0 s1  }
0x58: {  	[bflag:$0x3] =	sbarrier.arrive $0xFFFF  }
0x59: {  	_ =	shalt  }

</sc_bundles>
